<compile_context>
chip_gen: v7x
topology: tpu7x:2x2x1
jax: 0.10.2.dev20260603
libtpu: 0.0.44.dev20260713+nightly
codegen_flags: <defaults>
</compile_context>

<pallas_src>
import jax
import jax.numpy as jnp
from jax import lax
from jax.experimental import pallas as pl
from jax.experimental.pallas import tpu as pltpu
from jax.experimental.pallas import tpu_sc as plsc

_SEQ = 8192
_DIM = 128
_HID = 256
_VPAD = 128
_NC = 1
_NS = 16
_NW = _NC * _NS
_LANES = 16
_CHUNK = _SEQ // _NW


def _sc_hist_body(ids_hbm, out_hbm, idsv, counts_v, sem):
    c = lax.axis_index("c")
    s = lax.axis_index("s")
    wid = c * _NS + s

    cp = pltpu.make_async_copy(ids_hbm.at[pl.ds(wid * _CHUNK, _CHUNK)], idsv, sem)
    cp.start()

    zeros = jnp.zeros((_LANES,), jnp.float32)

    def _zero(j, carry):
        counts_v[pl.ds(pl.multiple_of(j * _LANES, _LANES), _LANES)] = zeros
        return carry

    lax.fori_loop(0, _VPAD // _LANES, _zero, 0, unroll=False)
    cp.wait()

    ones = jnp.ones((_LANES,), jnp.float32)

    def _accum(k, carry):
        idvec = idsv[pl.ds(pl.multiple_of(k * _LANES, _LANES), _LANES)]
        plsc.addupdate_scatter(counts_v, [idvec], ones)
        return carry

    lax.fori_loop(0, _CHUNK // _LANES, _accum, 0, unroll=4)

    pltpu.sync_copy(counts_v, out_hbm.at[wid])


@jax.jit
def _sc_hist(ids):
    mesh = plsc.VectorSubcoreMesh(
        core_axis_name="c", subcore_axis_name="s",
        num_cores=_NC, num_subcores=_NS)
    return pl.kernel(
        _sc_hist_body,
        out_type=jax.ShapeDtypeStruct((_NW, _VPAD), jnp.float32),
        mesh=mesh,
        scratch_types=[
            pltpu.VMEM((_CHUNK,), jnp.int32),
            pltpu.VMEM((_VPAD,), jnp.float32),
            pltpu.SemaphoreType.DMA,
        ],
        compiler_params=pltpu.CompilerParams(needs_layout_passes=False),
    )(ids)


def _tc_mlp_body(cnt_ref, tab_ref, w1_ref, b1_ref, w2_ref, b2_ref, out_ref):
    c2 = cnt_ref[...]
    counts = jnp.sum(c2[:, : tab_ref.shape[0]], axis=0, keepdims=True)
    avg = jnp.dot(counts, tab_ref[...],
                  preferred_element_type=jnp.float32,
                  precision=lax.Precision.DEFAULT) * (1.0 / _SEQ)
    h = jnp.maximum(
        jnp.dot(avg, w1_ref[...], preferred_element_type=jnp.float32,
                precision=lax.Precision.DEFAULT) + b1_ref[...], 0.0)
    out_ref[...] = jnp.dot(
        h, w2_ref[...], preferred_element_type=jnp.float32,
        precision=lax.Precision.DEFAULT) + b2_ref[...]


def kernel(ids, emb_table, W1, b1, W2, b2):
    counts16 = _sc_hist(ids)
    out = pl.pallas_call(
        _tc_mlp_body,
        out_shape=jax.ShapeDtypeStruct((1, _HID), jnp.float32),
    )(counts16, emb_table, W1, b1.reshape(1, _HID), W2, b2.reshape(1, _HID))
    return out.reshape(_HID)

# --- scband reference (transcript-rebuilt; emitter-appended) ---
"""Pipeline reference for scband-prompt-encoder-61933428417212 (READ-ONLY COPY).

The authoritative reference and input builder live on the scoring server;
editing this copy changes nothing except your own understanding.
"""

import jax, jax.numpy as jnp
import numpy as np

VOCAB = 100  # len(string.printable)
DIM = 128
HIDDEN = 256
SEQ = 8192

def setup_inputs(seed: int = 0) -> dict:
    key = jax.random.key(seed)
    k1, k2, k3, k4 = jax.random.split(key, 4)
    ids = jax.random.randint(k1, (SEQ,), 0, VOCAB)
    emb_table = jax.random.normal(k2, (VOCAB, DIM), dtype=jnp.float32)
    W1 = jax.random.normal(k3, (DIM, HIDDEN), dtype=jnp.float32) * 0.05
    b1 = jnp.zeros((HIDDEN,), dtype=jnp.float32)
    W2 = jax.random.normal(k4, (HIDDEN, HIDDEN), dtype=jnp.float32) * 0.05
    b2 = jnp.zeros((HIDDEN,), dtype=jnp.float32)
    return {"ids": ids, "emb_table": emb_table, "W1": W1, "b1": b1, "W2": W2, "b2": b2}

def reference(ids, emb_table, W1, b1, W2, b2):
    # embedding lookup: table[ids]
    embedded = jnp.take(emb_table, ids, axis=0)  # [SEQ, DIM]
    avg = embedded.mean(axis=0)                   # [DIM]
    # proj: Linear -> ReLU -> Linear
    h = jnp.maximum(avg @ W1 + b1, 0.0)
    out = h @ W2 + b2                             # [HIDDEN]
    return out

if __name__ == "__main__":
    import jax
    _d = setup_inputs()
    print(jax.jit(kernel)(*tuple(_d.values())))

</pallas_src>

<mosaic_0001>
#map = affine_map<(d0, d1) -> (0)>
#map1 = affine_map<(d0, d1) -> (0, 0)>
module attributes {stable_mosaic.version = 14 : i64} {
  func.func @_sc_hist_body(%arg0: i32, %arg1: i32, %arg2: memref<8192xi32, #tpu.memory_space<hbm>>, %arg3: memref<16x128xf32, #tpu.memory_space<hbm>>, %arg4: memref<512xi32, #tpu.memory_space<vmem>>, %arg5: memref<128xf32, #tpu.memory_space<vmem>>, %arg6: memref<!tpu.dma_semaphore, #tpu.memory_space<semaphore_mem>>) attributes {dimension_semantics = [#tpu.dimension_semantics<core_parallel>, #tpu.dimension_semantics<subcore_parallel>], iteration_bounds = array<i64: 1, 16>, scalar_prefetch = 0 : i64, scratch_operands = 3 : i64, tpu.core_type = #tpu.core_type<sc_vector_subcore>, window_params = [{transform_indices = #map}, {transform_indices = #map1}]} {
    %mul3A = arith.constant 16 : i32
    %mul3A_0 = arith.muli %arg0, %mul3A : i32
    %add3A = arith.addi %mul3A_0, %arg1 : i32
    %mul3A_1 = arith.constant 512 : i32
    %mul3A_2 = arith.muli %add3A, %mul3A_1 : i32
    %dma_start3A = tpu.memref_slice %arg2[%mul3A_2] : memref<8192xi32, #tpu.memory_space<hbm>> -> memref<512xi32, #tpu.memory_space<hbm>>
    %dma_start3A_3 = tpu.memref_slice %arg2[%mul3A_2] : memref<8192xi32, #tpu.memory_space<hbm>> -> memref<512xi32, #tpu.memory_space<hbm>>
    tpu.enqueue_dma source(%dma_start3A_3 : memref<512xi32, #tpu.memory_space<hbm>>) target(%arg4 : memref<512xi32, #tpu.memory_space<vmem>>) target_semaphore(%arg6 : memref<!tpu.dma_semaphore, #tpu.memory_space<semaphore_mem>>)
    %broadcast_in_dim3A = arith.constant 0.000000e+00 : f32
    %broadcast_in_dim3A_4 = vector.broadcast %broadcast_in_dim3A : f32 to vector<16xf32>
    %scan3A = arith.constant 0 : i32
    %scan3A_5 = arith.constant 0 : i32
    %scan3A_6 = arith.constant 8 : i32
    %scan3A_7 = arith.addi %scan3A_5, %scan3A_6 : i32
    %scan3A_8 = arith.constant 1 : i32
    scf.for %scan3A_19 = %scan3A_5 to %scan3A_7 step %scan3A_8  : i32 {
      %mul3A_20 = arith.constant 16 : i32
      %mul3A_21 = arith.muli %scan3A_19, %mul3A_20 : i32
      %multiple_of3A = tpu.assume_multiple %mul3A_21, 16 : i32
      %swap3A = arith.index_cast %multiple_of3A : i32 to index
      %swap3A_22 = tpu.vector_load %arg5[%swap3A] {strides = array<i32>} : memref<128xf32, #tpu.memory_space<vmem>>, vector<16xf32>,
      tpu.vector_store %arg5[%swap3A], %broadcast_in_dim3A_4 {strides = array<i32>} : memref<128xf32, #tpu.memory_space<vmem>>, vector<16xf32>,
    }
    %scan3A_9 = arith.constant 8 : i32
    %dma_wait3A = tpu.memref_slice %arg2[%mul3A_2] : memref<8192xi32, #tpu.memory_space<hbm>> -> memref<512xi32, #tpu.memory_space<hbm>>
    %dma_wait3A_10 = tpu.memref_slice %arg2[%mul3A_2] : memref<8192xi32, #tpu.memory_space<hbm>> -> memref<512xi32, #tpu.memory_space<hbm>>
    tpu.wait_dma2 semaphore(%arg6 : memref<!tpu.dma_semaphore, #tpu.memory_space<semaphore_mem>>) src(%dma_wait3A_10 : memref<512xi32, #tpu.memory_space<hbm>>) dst(%arg4 : memref<512xi32, #tpu.memory_space<vmem>>)
    %broadcast_in_dim3A_11 = arith.constant 1.000000e+00 : f32
    %broadcast_in_dim3A_12 = vector.broadcast %broadcast_in_dim3A_11 : f32 to vector<16xf32>
    %scan3A_13 = arith.constant 0 : i32
    %scan3A_14 = arith.constant 0 : i32
    %scan3A_15 = arith.constant 32 : i32
    %scan3A_16 = arith.addi %scan3A_14, %scan3A_15 : i32
    %scan3A_17 = arith.constant 4 : i32
    scf.for %scan3A_19 = %scan3A_14 to %scan3A_16 step %scan3A_17  : i32 {
      %mul3A_20 = arith.constant 16 : i32
      %mul3A_21 = arith.muli %scan3A_19, %mul3A_20 : i32
      %multiple_of3A = tpu.assume_multiple %mul3A_21, 16 : i32
      %get3A = arith.index_cast %multiple_of3A : i32 to index
      %get3A_22 = tpu.vector_load %arg4[%get3A] {strides = array<i32>} : memref<512xi32, #tpu.memory_space<vmem>>, vector<16xi32>,
      tpu.vector_store_idx %arg5[%get3A_22], %broadcast_in_dim3A_12 {add = true} : memref<128xf32, #tpu.memory_space<vmem>>[vector<16xi32>], vector<16xf32>,
      %scan3A_23 = arith.constant 1 : i32
      %scan3A_24 = arith.addi %scan3A_19, %scan3A_23 : i32
      %mul3A_25 = arith.constant 16 : i32
      %mul3A_26 = arith.muli %scan3A_24, %mul3A_25 : i32
      %multiple_of3A_27 = tpu.assume_multiple %mul3A_26, 16 : i32
      %get3A_28 = arith.index_cast %multiple_of3A_27 : i32 to index
      %get3A_29 = tpu.vector_load %arg4[%get3A_28] {strides = array<i32>} : memref<512xi32, #tpu.memory_space<vmem>>, vector<16xi32>,
      tpu.vector_store_idx %arg5[%get3A_29], %broadcast_in_dim3A_12 {add = true} : memref<128xf32, #tpu.memory_space<vmem>>[vector<16xi32>], vector<16xf32>,
      %scan3A_30 = arith.constant 2 : i32
      %scan3A_31 = arith.addi %scan3A_19, %scan3A_30 : i32
      %mul3A_32 = arith.constant 16 : i32
      %mul3A_33 = arith.muli %scan3A_31, %mul3A_32 : i32
      %multiple_of3A_34 = tpu.assume_multiple %mul3A_33, 16 : i32
      %get3A_35 = arith.index_cast %multiple_of3A_34 : i32 to index
      %get3A_36 = tpu.vector_load %arg4[%get3A_35] {strides = array<i32>} : memref<512xi32, #tpu.memory_space<vmem>>, vector<16xi32>,
      tpu.vector_store_idx %arg5[%get3A_36], %broadcast_in_dim3A_12 {add = true} : memref<128xf32, #tpu.memory_space<vmem>>[vector<16xi32>], vector<16xf32>,
      %scan3A_37 = arith.constant 3 : i32
      %scan3A_38 = arith.addi %scan3A_19, %scan3A_37 : i32
      %mul3A_39 = arith.constant 16 : i32
      %mul3A_40 = arith.muli %scan3A_38, %mul3A_39 : i32
      %multiple_of3A_41 = tpu.assume_multiple %mul3A_40, 16 : i32
      %get3A_42 = arith.index_cast %multiple_of3A_41 : i32 to index
      %get3A_43 = tpu.vector_load %arg4[%get3A_42] {strides = array<i32>} : memref<512xi32, #tpu.memory_space<vmem>>, vector<16xi32>,
      tpu.vector_store_idx %arg5[%get3A_43], %broadcast_in_dim3A_12 {add = true} : memref<128xf32, #tpu.memory_space<vmem>>[vector<16xi32>], vector<16xf32>,
    }
    %scan3A_18 = arith.constant 32 : i32
    "tpu.region"() ({
      %run_scoped3A = tpu.sem_alloc : memref<!tpu.dma_semaphore, #tpu.memory_space<semaphore_mem>>
      %dma_start3A_19 = arith.constant 0 : i32
      %dma_start3A_20 = tpu.memref_slice %arg3[%add3A, %dma_start3A_19] : memref<16x128xf32, #tpu.memory_space<hbm>> -> memref<1x128xf32, #tpu.memory_space<hbm>>
      %dma_start3A_21 = tpu.memref_squeeze %dma_start3A_20 : memref<1x128xf32, #tpu.memory_space<hbm>> -> memref<128xf32, #tpu.memory_space<hbm>>
      %dma_start3A_22 = arith.constant 0 : i32
      %dma_start3A_23 = tpu.memref_slice %arg3[%add3A, %dma_start3A_22] : memref<16x128xf32, #tpu.memory_space<hbm>> -> memref<1x128xf32, #tpu.memory_space<hbm>>
      %dma_start3A_24 = tpu.memref_squeeze %dma_start3A_23 : memref<1x128xf32, #tpu.memory_space<hbm>> -> memref<128xf32, #tpu.memory_space<hbm>>
      tpu.enqueue_dma source(%arg5 : memref<128xf32, #tpu.memory_space<vmem>>) target(%dma_start3A_24 : memref<128xf32, #tpu.memory_space<hbm>>) target_semaphore(%run_scoped3A : memref<!tpu.dma_semaphore, #tpu.memory_space<semaphore_mem>>)
      %dma_wait3A_25 = arith.constant 0 : i32
      %dma_wait3A_26 = tpu.memref_slice %arg3[%add3A, %dma_wait3A_25] : memref<16x128xf32, #tpu.memory_space<hbm>> -> memref<1x128xf32, #tpu.memory_space<hbm>>
      %dma_wait3A_27 = tpu.memref_squeeze %dma_wait3A_26 : memref<1x128xf32, #tpu.memory_space<hbm>> -> memref<128xf32, #tpu.memory_space<hbm>>
      %dma_wait3A_28 = arith.constant 0 : i32
      %dma_wait3A_29 = tpu.memref_slice %arg3[%add3A, %dma_wait3A_28] : memref<16x128xf32, #tpu.memory_space<hbm>> -> memref<1x128xf32, #tpu.memory_space<hbm>>
      %dma_wait3A_30 = tpu.memref_squeeze %dma_wait3A_29 : memref<1x128xf32, #tpu.memory_space<hbm>> -> memref<128xf32, #tpu.memory_space<hbm>>
      tpu.wait_dma2 semaphore(%run_scoped3A : memref<!tpu.dma_semaphore, #tpu.memory_space<semaphore_mem>>) src(%arg5 : memref<128xf32, #tpu.memory_space<vmem>>) dst(%dma_wait3A_30 : memref<128xf32, #tpu.memory_space<hbm>>)
      tpu.yield
    }) : () -> ()
    return
  }
}

</mosaic_0001>

<sc_bundles>
// kernel: _sc_hist.3.cloned.1.call-start
scs
__scs_entry_jumppad:
0x0: {  	(pc) =	sbr.rel $0x88, $3  }
0x1: {  	(tag) =	ssettag $0x0;
	lr =	simm.s32 $0x1  }
0x2: {  	[smem:$0x3FA0] =	sst lr;
	_ =	strace $0xD0000000  }
0x3: {  	_ = 	snop  }
0x4: {  	_ = 	snop  }
0x5: {  	_ = 	snop  }
0x6: {  	_ = 	snop  }
0x7: {  	_ = 	snop  }
__scs_overlays_trampoline_lowered:
0x8: {  	[smem:$0x3FAF] =	sst s0  }
0x9: {  	[smem:$0x3FB0] =	sst s1  }
0xa: {  	[smem:$0x3FB1] =	sst s2  }
0xb: {  	[smem:$0x3FB2] =	sst s3  }
0xc: {  	[smem:$0x3FB3] =	sst s4  }
0xd: {  	[smem:$0x3FB4] =	sst s5  }
0xe: {  	[smem:$0x3FB5] =	sst s6  }
0xf: {  	[smem:$0x3FB6] =	sst s7  }
0x10: {  	[smem:$0x3FB7] =	sst s8  }
0x11: {  	[smem:$0x3FB8] =	sst s9;
	s0 =	simm.s32 @!p0 $0x0  }
0x12: {  	s1 =	sld [smem:$0x3F9E];
	s0 =	simm.s32 @p0 $0x1  }
0x13: {  	[smem:$0x3FB9] =	sst s0;
	s0 =	simm.s32 @!p1 $0x0  }
0x14: {  	s2 =	sld [smem:$0x3F9D];
	s0 =	simm.s32 @p1 $0x1  }
0x15: {  	[smem:$0x3FBA] =	sst s0;
	s0 =	simm.s32 @!p2 $0x0  }
0x16: {  	s3 =	sld [smem:$0x3FDB];
	s0 =	simm.s32 @p2 $0x1  }
0x17: {  	s4 =	simm.s32 $0x1BF5;
	[smem:$0x3FBC] =	sst s0  }
0x18: {  	s0 =	sld [smem:$0x3F9F];
	_ =	swait.ge [sflag:s4], $0x0  }
0x19: {  	s7 =	sld [smem:$0x3FA0]  }
0x1a: {  	s8 =	sadd.s32 $0xFFFFE003, lr  }
0x1b: {  	s9 =	sadd.s32 $0xFFFFFEF7, lr;
	s5 =	simm.s32 $0xFFFFFFFF;
	p2 =	slt.u32 s8, $0xFFFFF086  }
0x1c: {  	p1 =	slt.u32 s9, $0xF7A;
	s5 =	simm.s32 @!p2 $0x0  }
0x1d: {  	s5 =	simm.s32 @p1 $0x1;
	p0 =	seq.s32 s7, s2  }
0x1e: {  	s7 =	smul.u32 @!p0 $0xF7A, s2;
	p2 =	seq.s32 @!p0 s5, $0x0  }
0x1f: {  	s9 =	smul.u32 $0xF7A, s1;
	s8 =	simm.s32 @!p0 $0x1BF5;
	p2 =	por !p2, p0  }
0x20: {  	[sflag:s8] =	ssyncset.s32 @!p0 $0xFFFFF086;
	s6 =	sadd.s32 @!p0 s3, s7;
	s7 =	simm.s32 @!p0 $0x108  }
0x21: {  	s3 =	sadd.s32 s3, s9;
	s6 =	sadd.s32 @!p0 $0x88, s6;
	s7 =	simm.s32 @p2 $0x1082  }
0x22: {  	[simem:s7], [sflag:s8] =	dma.local @!p0 [hbm:s6], $0xF7A  }
0x23: {  	s9 =	sor.u32 $0xD0000000, s2;
	s6 =	simm.s32 $0x108;
	_ =	swait.ge @!p0 [sflag:s8], $0x0  }
0x24: {  	s3 =	sadd.s32 $0x88, s3;
	s6 =	simm.s32 @!p1 $0x1082;
	[sflag:s4] =	ssyncset.s32 $0xFFFFF086  }
0x25: {  	[simem:s6], [sflag:s4] =	dma.local [hbm:s3], $0xF7A  }
0x26: {  	[smem:$0x3FA0] =	sst s1;
	(tag) =	ssettag s2;
	_ =	strace s9  }
0x27: {  	s1 =	sld [smem:$0x3FB0]  }
0x28: {  	s2 =	sld [smem:$0x3FB1]  }
0x29: {  	s4 =	sld [smem:$0x3FB3]  }
0x2a: {  	p0 =	seq.s32 s5, $0x0;
	s5 =	sld [smem:$0x3FB4]  }
0x2b: {  	s6 =	sld [smem:$0x3FB5]  }
0x2c: {  	s7 =	sld [smem:$0x3FB6]  }
0x2d: {  	s3 =	simm.s32 $0x108;
	s8 =	sld [smem:$0x3FB7]  }
0x2e: {  	s3 =	simm.s32 @!p0 $0x1082;
	s9 =	sld [smem:$0x3FB8]  }
0x2f: {  	lr =	sadd.s32 s0, s3;
	s0 =	sld [smem:$0x3FAF]  }
0x30: {  	s3 =	sld [smem:$0x3FB2]  }
0x31: {  	[smem:$0x3FBB] =	sst s10  }
0x32: {  	s10 =	sld [smem:$0x3FB9];
	_ =	sdelay $0x3  }
0x33: {  	p0 =	seq.s32 s10, $0x1;
	s10 =	sld [smem:$0x3FBB];
	_ =	sdelay $0x3  }
0x34: {  	[smem:$0x3FBB] =	sst s10  }
0x35: {  	s10 =	sld [smem:$0x3FBA];
	_ =	sdelay $0x3  }
0x36: {  	p1 =	seq.s32 s10, $0x1;
	s10 =	sld [smem:$0x3FBB];
	_ =	sdelay $0x3  }
0x37: {  	[smem:$0x3FBB] =	sst s10  }
0x38: {  	s10 =	sld [smem:$0x3FBC]  }
0x39: {  	_ = 	snop;
	(pc) =	sbr.ind lr, $3  }
0x3a: {  	_ = 	snop  }
0x3b: {  	_ = 	snop  }
0x3c: {  	p2 =	seq.s32 s10, $0x1;
	s10 =	sld [smem:$0x3FBB]  }
0x3d: {  	_ =	shalt  }
0x3e: {  	_ =	shalt  }
0x3f: {  	_ =	shalt  }
0x40: {  	_ =	shalt  }
0x41: {  	_ =	shalt  }
0x42: {  	_ =	shalt  }
0x43: {  	_ =	shalt  }
0x44: {  	_ =	shalt  }
0x45: {  	_ =	shalt  }
0x46: {  	_ =	shalt  }
0x47: {  	_ =	shalt  }
0x48: {  	_ =	shalt  }
0x49: {  	_ =	shalt  }
0x4a: {  	_ =	shalt  }
0x4b: {  	_ =	shalt  }
0x4c: {  	_ =	shalt  }
0x4d: {  	_ =	shalt  }
0x4e: {  	_ =	shalt  }
0x4f: {  	_ =	shalt  }
0x50: {  	_ =	shalt  }
0x51: {  	_ =	shalt  }
0x52: {  	_ =	shalt  }
0x53: {  	_ =	shalt  }
0x54: {  	_ =	shalt  }
0x55: {  	_ =	shalt  }
0x56: {  	_ =	shalt  }
0x57: {  	_ =	shalt  }
0x58: {  	_ =	shalt  }
0x59: {  	_ =	shalt  }
0x5a: {  	_ =	shalt  }
0x5b: {  	_ =	shalt  }
0x5c: {  	_ =	shalt  }
0x5d: {  	_ =	shalt  }
0x5e: {  	_ =	shalt  }
0x5f: {  	_ =	shalt  }
0x60: {  	_ =	shalt  }
0x61: {  	_ =	shalt  }
0x62: {  	_ =	shalt  }
0x63: {  	_ =	shalt  }
0x64: {  	_ =	shalt  }
0x65: {  	_ =	shalt  }
0x66: {  	_ =	shalt  }
0x67: {  	_ =	shalt  }
0x68: {  	_ =	shalt  }
0x69: {  	_ =	shalt  }
0x6a: {  	_ =	shalt  }
0x6b: {  	_ =	shalt  }
0x6c: {  	_ =	shalt  }
0x6d: {  	_ =	shalt  }
0x6e: {  	_ =	shalt  }
0x6f: {  	_ =	shalt  }
0x70: {  	_ =	shalt  }
0x71: {  	_ =	shalt  }
0x72: {  	_ =	shalt  }
0x73: {  	_ =	shalt  }
0x74: {  	_ =	shalt  }
0x75: {  	_ =	shalt  }
0x76: {  	_ =	shalt  }
0x77: {  	_ =	shalt  }
0x78: {  	_ =	shalt  }
0x79: {  	_ =	shalt  }
0x7a: {  	_ =	shalt  }
0x7b: {  	_ =	shalt  }
0x7c: {  	_ =	shalt  }
0x7d: {  	_ =	shalt  }
0x7e: {  	_ =	shalt  }
0x7f: {  	_ =	shalt  }
0x80: {  	_ =	shalt  }
0x81: {  	_ =	shalt  }
0x82: {  	_ =	shalt  }
0x83: {  	_ =	shalt  }
0x84: {  	_ =	shalt  }
0x85: {  	_ =	shalt  }
0x86: {  	_ =	shalt  }
0x87: {  	_ =	shalt  }
.Lfunc_end0:
.L_simem_size_0:
called_computation_lowered:
.L_overlay_start_0:
0x88: {  	s0 =	sld [smem:$0x3FD9]  }
0x89: {  	s1 =	sld [smem:$0x3FFE];
	_ =	sdelay $0x3  }
0x8a: {  	s0 =	sadd.s32 s1, s0  }
0x8b: {  	[smem:$0x3FC7] =	sst s0  }
0x8c: {  	_ = 	snop  }
0x8d: {  	s0 =	sld [smem:$0x3FC9]  }
0x8e: {  	s17 =	sld [smem:$0x3FD0];
	(tm) =	ssettm $0x1  }
0x8f: {  	s2 =	sld [smem:$0x3FFB];
	_ =	sdelay $0x3  }
0x90: {  	_ =	strace s2  }
0x91: {  	s2 =	sld [smem:$0x3FFC];
	_ =	sdelay $0x3  }
0x92: {  	_ =	strace s2  }
0x93: {  	s2 =	sld [smem:$0x3FFD];
	_ =	sdelay $0x3  }
0x94: {  	_ =	strace s2  }
0x95: {  	_ =	strace $0x8FFFFFFF  }
0x96: {  	s18 =	sld [smem:$0x3FDB];
	_ =	sdelay $0x1  }
0x97: {  	s3 =	simm.s32 $_scs_section_size  }
0x98: {  	s4 =	simm.s32 $_size__tile_overlayer_lowered;
	s5 =	simm.s32 $_tile_overlayer_lowered  }
0x99: {  	s21 =	simm.s32 $0x1BFF;
	s20 =	sshll.u32 s5, $0x1;
	s2 =	sadd.s32 s3, s18  }
0x9a: {  	s6 =	simm.s32 $0x0;
	s19 =	sshll.u32 s4, $0x1;
	s4 =	sadd.s32 s20, s2  }
0x9b: {  	[timem:s6], [sflag:s21] =	dma.local [hbm:s4], s19  }
0x9c: {  	_ =	swait.ge [sflag:s21], s19  }
0x9d: {  	s3 =	ssub.s32 $0x0, s19;
	[sflag:s21] =	ssyncset.done $0x0  }
0x9e: {  	[sflag:s21] =	ssyncadd.s32 s3;
	_ =	sdelay $0x1  }
0x9f: {  	s22 =	simm.s32 $0x1B8B  }
0xa0: {  	_ =	swait.ge [sflag:s22], $0x1  }
0xa1: {  	[sflag:s22] =	ssyncset.done $0x0  }
0xa2: {  	s23 =	simm.s32 $0x1B8E;
	[sflag:s22] =	ssyncadd.s32 $0xFFFFFFFF  }
0xa3: {  	s24 =	simm.s32 $execute0_lowered;
	[smem:$0x3FD2] =	sst s23  }
0xa4: {  	s3 =	sshll.u32 s24, $0x1;
	_ =	strace $0x80000046;
	[dreg:$0x1] =	wrdreg $0xFFFFFFFF  }
0xa5: {  	s25 =	simm.s32 $_size_execute0_lowered;
	s2 =	sadd.s32 s2, s3;
	[dreg:$0x0] =	wrdreg $0x0  }
0xa6: {  	s3 =	sshll.u32 s25, $0x1;
	[dreg:$0x2] =	wrdreg s2  }
0xa7: {  	[dreg:$0x3] =	wrdreg s3  }
0xa8: {  	[dreg:$0x4] =	wrdreg $0xC0  }
0xa9: {  	_ =	task [dreg:s6], $0x5FFFF  }
0xaa: {  	[dreg:$0x1] =	wrdreg $0xFFFFFFFF  }
0xab: {  	[dreg:$0x0] =	wrdreg $0x60  }
0xac: {  	[dreg:$0x2] =	wrdreg s0  }
0xad: {  	[dreg:$0x3] =	wrdreg s17  }
0xae: {  	[dreg:$0x4] =	wrdreg $0x9  }
0xaf: {  	_ =	task.clear_ibuf [dreg:s6], $0x5FFFF;
	_ =	strace $0x90000046  }
0xb0: {  	s26 =	simm.s32 $0x9;
	_ =	strace $0x80000048  }
0xb1: {  	_ =	swait.ge [sflag:s26], $0x1  }
0xb2: {  	[sflag:s26] =	ssyncadd.s32 $0xFFFFFFFF  }
0xb3: {  	_ =	strace $0x90000048  }
0xb4: {  	_ =	sfence  }
0xb5: {  	s28 =	sld [smem:$0x0];
	_ =	sdelay $0x1  }
0xb6: {  	s29 =	srdreg.scid  }
0xb7: {  	s30 =	sshll.u32 s29, $0xD;
	s31 =	sshrl.u32 s29, $0x2  }
0xb8: {  	s1 =	sand.u32 $0x1, s29;
	s2 =	sand.u32 $0x4000, s30;
	s0 =	sadd.s32 s31, s28  }
0xb9: {  	s1 =	sor.u32 s2, s1;
	s0 =	sshll.u32 s0, $0x11  }
0xba: {  	s0 =	sor.u32 s0, s1  }
0xbb: {  	s0 =	sadd.s32 $0x8F2B, s0  }
0xbc: {  	[sflag:s0] =	ssyncadd.remote.s32 $0x1  }
0xbd: {  	_ =	sfence.sel $0xFFFF  }
0xbe: {  	[dreg:$0x0] =	wrdreg $0xFFFFFFFF;
	(pc) =	sbr.abs _section_cstart, $3  }
0xbf: {  	[dreg:$0x1] =	wrdreg $0xFFFFFFFF  }
0xc0: {  	_ =	task.clear_ibuf [dreg:s6], $0x2FFFF;
	_ =	strace $0x9FFFFFFF  }
0xc1: {  	(tm) =	ssettm $0x7FFFFFFF  }
tec
execute0_lowered:
.L_overlay_start_1:
0x0: {  	(tag) =	ssettag $0x1  }
0x1: {  	s4 =	rddreg [dreg:$0x0]  }
0x2: {  	s2 =	rddreg [dreg:$0x1];
	s3 =	simm.s32 $0x0;
	s1 =	stileid.u32  }
0x3: {  	[smem:$0x7FF] =	sst s3;
	s5 =	sshll.u32 s1, $0x6  }
0x4: {  	s0 =	rddreg [dreg:$0x2];
	_ =	strace $0x80000047;
	s4 =	sadd.s32 s4, s5  }
0x5: {  	v0 =	vimm.f32 $0.0e+00;
	[tilespmem:s3], [sflag:$0x1] =	stream.linear.gather [hbm4b:s4+s3], $0x200, $0x38;
	[tilespmem:$0x280] =	vst v63  }
0x6: {  	[tilespmem:$0x200] =	vst v0  }
0x7: {  	[tilespmem:$0x210] =	vst v0  }
0x8: {  	[tilespmem:$0x220] =	vst v0  }
0x9: {  	[tilespmem:$0x230] =	vst v0  }
0xa: {  	[tilespmem:$0x240] =	vst v0  }
0xb: {  	[tilespmem:$0x250] =	vst v0  }
0xc: {  	[tilespmem:$0x260] =	vst v0  }
0xd: {  	s28 =	simm.s32 $0x1;
	[tilespmem:$0x270] =	vst v0  }
0xe: {  	_ =	swait.ge [sflag:s28], $0x200  }
0xf: {  	[sflag:s28] =	ssyncset.done $0x0  }
0x10: {  	[sflag:s28] =	ssyncadd.s32 $0xFFFFFE00  }
0x11: {  	v63 =	vld [tilespmem:$0x0];
	_ =	sdelay $0x6  }
0x12: {  	v1 =	vimm.f32 $1.000000000e+00;
	s29 =	simm.s32 $0x200  }
0x13: {  	[tilespmem:v63+s29+$0x0] =	vst.idx.add.f32.msk $0xffff, v1  }
0x14: {  	v0 =	vld [tilespmem:$0x10];
	_ =	sdelay $0x7  }
0x15: {  	[tilespmem:v0+s29+$0x0] =	vst.idx.add.f32.msk $0xffff, v1  }
0x16: {  	v0 =	vld [tilespmem:$0x20];
	_ =	sdelay $0x7  }
0x17: {  	[tilespmem:v0+s29+$0x0] =	vst.idx.add.f32.msk $0xffff, v1  }
0x18: {  	v0 =	vld [tilespmem:$0x30];
	_ =	sdelay $0x7  }
0x19: {  	[tilespmem:v0+s29+$0x0] =	vst.idx.add.f32.msk $0xffff, v1  }
0x1a: {  	v0 =	vld [tilespmem:$0x40];
	_ =	sdelay $0x7  }
0x1b: {  	[tilespmem:v0+s29+$0x0] =	vst.idx.add.f32.msk $0xffff, v1  }
0x1c: {  	v0 =	vld [tilespmem:$0x50];
	_ =	sdelay $0x7  }
0x1d: {  	[tilespmem:v0+s29+$0x0] =	vst.idx.add.f32.msk $0xffff, v1  }
0x1e: {  	v0 =	vld [tilespmem:$0x60];
	_ =	sdelay $0x7  }
0x1f: {  	[tilespmem:v0+s29+$0x0] =	vst.idx.add.f32.msk $0xffff, v1  }
0x20: {  	v0 =	vld [tilespmem:$0x70];
	_ =	sdelay $0x7  }
0x21: {  	[tilespmem:v0+s29+$0x0] =	vst.idx.add.f32.msk $0xffff, v1  }
0x22: {  	v0 =	vld [tilespmem:$0x80];
	_ =	sdelay $0x7  }
0x23: {  	[tilespmem:v0+s29+$0x0] =	vst.idx.add.f32.msk $0xffff, v1  }
0x24: {  	v0 =	vld [tilespmem:$0x90];
	_ =	sdelay $0x7  }
0x25: {  	[tilespmem:v0+s29+$0x0] =	vst.idx.add.f32.msk $0xffff, v1  }
0x26: {  	v0 =	vld [tilespmem:$0xA0];
	_ =	sdelay $0x7  }
0x27: {  	[tilespmem:v0+s29+$0x0] =	vst.idx.add.f32.msk $0xffff, v1  }
0x28: {  	v0 =	vld [tilespmem:$0xB0];
	_ =	sdelay $0x7  }
0x29: {  	[tilespmem:v0+s29+$0x0] =	vst.idx.add.f32.msk $0xffff, v1  }
0x2a: {  	v0 =	vld [tilespmem:$0xC0];
	_ =	sdelay $0x7  }
0x2b: {  	[tilespmem:v0+s29+$0x0] =	vst.idx.add.f32.msk $0xffff, v1  }
0x2c: {  	v0 =	vld [tilespmem:$0xD0];
	_ =	sdelay $0x7  }
0x2d: {  	[tilespmem:v0+s29+$0x0] =	vst.idx.add.f32.msk $0xffff, v1  }
0x2e: {  	v0 =	vld [tilespmem:$0xE0];
	_ =	sdelay $0x7  }
0x2f: {  	[tilespmem:v0+s29+$0x0] =	vst.idx.add.f32.msk $0xffff, v1  }
0x30: {  	v0 =	vld [tilespmem:$0xF0];
	_ =	sdelay $0x7  }
0x31: {  	[tilespmem:v0+s29+$0x0] =	vst.idx.add.f32.msk $0xffff, v1  }
0x32: {  	v0 =	vld [tilespmem:$0x100];
	_ =	sdelay $0x7  }
0x33: {  	[tilespmem:v0+s29+$0x0] =	vst.idx.add.f32.msk $0xffff, v1  }
0x34: {  	v0 =	vld [tilespmem:$0x110];
	_ =	sdelay $0x7  }
0x35: {  	[tilespmem:v0+s29+$0x0] =	vst.idx.add.f32.msk $0xffff, v1  }
0x36: {  	v0 =	vld [tilespmem:$0x120];
	_ =	sdelay $0x7  }
0x37: {  	[tilespmem:v0+s29+$0x0] =	vst.idx.add.f32.msk $0xffff, v1  }
0x38: {  	v0 =	vld [tilespmem:$0x130];
	_ =	sdelay $0x7  }
0x39: {  	[tilespmem:v0+s29+$0x0] =	vst.idx.add.f32.msk $0xffff, v1  }
0x3a: {  	v0 =	vld [tilespmem:$0x140];
	_ =	sdelay $0x7  }
0x3b: {  	[tilespmem:v0+s29+$0x0] =	vst.idx.add.f32.msk $0xffff, v1  }
0x3c: {  	v0 =	vld [tilespmem:$0x150];
	_ =	sdelay $0x7  }
0x3d: {  	[tilespmem:v0+s29+$0x0] =	vst.idx.add.f32.msk $0xffff, v1  }
0x3e: {  	v0 =	vld [tilespmem:$0x160];
	_ =	sdelay $0x7  }
0x3f: {  	[tilespmem:v0+s29+$0x0] =	vst.idx.add.f32.msk $0xffff, v1  }
0x40: {  	v0 =	vld [tilespmem:$0x170];
	_ =	sdelay $0x7  }
0x41: {  	[tilespmem:v0+s29+$0x0] =	vst.idx.add.f32.msk $0xffff, v1  }
0x42: {  	v0 =	vld [tilespmem:$0x180];
	_ =	sdelay $0x7  }
0x43: {  	[tilespmem:v0+s29+$0x0] =	vst.idx.add.f32.msk $0xffff, v1  }
0x44: {  	v0 =	vld [tilespmem:$0x190];
	_ =	sdelay $0x7  }
0x45: {  	[tilespmem:v0+s29+$0x0] =	vst.idx.add.f32.msk $0xffff, v1  }
0x46: {  	v0 =	vld [tilespmem:$0x1A0];
	_ =	sdelay $0x7  }
0x47: {  	[tilespmem:v0+s29+$0x0] =	vst.idx.add.f32.msk $0xffff, v1  }
0x48: {  	v0 =	vld [tilespmem:$0x1B0];
	_ =	sdelay $0x7  }
0x49: {  	[tilespmem:v0+s29+$0x0] =	vst.idx.add.f32.msk $0xffff, v1  }
0x4a: {  	v0 =	vld [tilespmem:$0x1C0];
	_ =	sdelay $0x7  }
0x4b: {  	[tilespmem:v0+s29+$0x0] =	vst.idx.add.f32.msk $0xffff, v1  }
0x4c: {  	v0 =	vld [tilespmem:$0x1D0];
	_ =	sdelay $0x7  }
0x4d: {  	[tilespmem:v0+s29+$0x0] =	vst.idx.add.f32.msk $0xffff, v1  }
0x4e: {  	v0 =	vld [tilespmem:$0x1E0];
	_ =	sdelay $0x7  }
0x4f: {  	[tilespmem:v0+s29+$0x0] =	vst.idx.add.f32.msk $0xffff, v1  }
0x50: {  	v0 =	vld [tilespmem:$0x1F0];
	_ =	sdelay $0x6  }
0x51: {  	s30 =	sshll.u32 s1, $0x4  }
0x52: {  	s31 =	simm.s32 $0x2;
	s2 =	sadd.s32 s2, s30;
	[tilespmem:v0+s29+$0x0] =	vst.idx.add.f32.msk $0xffff, v1  }
0x53: {  	[hbm4b:s2+s3] =	stream.linear.scatter [tilespmem:s29], [sflag:$0x2], $0x80, $0x38;
	[tilespmem:$0x280] =	vst v63  }
0x54: {  	_ =	swait.ge [sflag:s31], $0x80  }
0x55: {  	[sflag:s31] =	ssyncset.done $0x0  }
0x56: {  	[sflag:s31] =	ssyncadd.s32 $0xFFFFFF80  }
0x57: {  	_ =	sfence.sel $0x180000  }
0x58: {  	[bflag:$0x0] =	sbarrier.arrive $0xFFFF  }
0x59: {  	p0 =	sne.s32 s1, $0x0;
	_ =	strace $0x90000047  }
0x5a: {  	s0 =	sadd.s32 @!p0 $0x100000, s0;
	[bflag:$0x2] =	sbarrier.arrive $0xFFFF  }
0x5b: {  	[sflag:s0] =	ssyncadd.tile.s32 @!p0 $0x1;
	_ =	shalt  }
.Lfunc_end2:
_tile_overlayer_lowered:
.L_overlay_start_2:
0x5c: {  	(tag) =	ssettag $0x2  }
0x5d: {  	s0 =	rddreg [dreg:$0x0];
	s2 =	stileid.u32  }
0x5e: {  	s1 =	rddreg [dreg:$0x1];
	p0 =	sne.s32 s2, $0x0  }
0x5f: {  	s3 =	rddreg [dreg:$0x2];
	[bflag:$0x3] =	sbarrier.arrive $0xFFFF;
	s2 =	simm.s32 @!p0 $0x1C02  }
0x60: {  	[timem:s3], [sflag:s2] =	dma.local @!p0 [hbm:s0], s1  }
0x61: {  	s0 =	simm.s32 @!p0 $0x2  }
0x62: {  	_ =	swait.ge @!p0 [sflag:s0], s1  }
0x63: {  	s1 =	ssub.s32 @!p0 $0x0, s1;
	[sflag:s0] =	ssyncset.done @!p0 $0x0  }
0x64: {  	[sflag:s0] =	ssyncadd.s32 @!p0 s1  }
0x65: {  	[bflag:$0x3] =	sbarrier.arrive $0xFFFF  }
0x66: {  	_ =	shalt  }

</sc_bundles>
